<compile_context>
chip_gen: v7x
topology: tpu7x:2x2x1
jax: 0.10.2.dev20260603
libtpu: 0.0.44.dev20260713+nightly
codegen_flags: <defaults>
</compile_context>

<pallas_src>
import functools

import jax
import jax.numpy as jnp
from jax import lax
from jax.experimental import pallas as pl
from jax.experimental.pallas import tpu as pltpu
from jax.experimental.pallas import tpu_sc as plsc

N = 10000
E = 320000
D_IN = 128
H = 128
C = 40

NP = 10240
E_PAD = 327680
ROWS_PER_SUB = NP // 16

NR_HALF = 5120
NR_ACC = 5248
NCHUNK_NS = E_PAD // (16 * 128)

_MESH = plsc.VectorSubcoreMesh(core_axis_name="c", subcore_axis_name="s")


@functools.partial(
    pl.kernel,
    out_type=jax.ShapeDtypeStruct((2, NR_ACC, 1, H), jnp.float32),
    mesh=_MESH,
    scratch_types=[
        pltpu.VMEM((128,), jnp.int32),
        pltpu.VMEM((128,), jnp.int32),
        pltpu.VMEM((128, 1, H), jnp.float32),
        pltpu.VMEM_SHARED((NR_ACC, 1, H), jnp.float32),
        pltpu.SemaphoreType.DMA,
    ],
)
def _scatter128(p_hbm, src_hbm, dst_hbm, zeros_hbm, out_hbm,
                src_c, dst_c, buf0, acc, sem0):
    cid = lax.axis_index("c")
    sid = lax.axis_index("s")

    @pl.when(sid == 0)
    def _():
        pltpu.sync_copy(zeros_hbm, acc)

    plsc.subcore_barrier()

    def body(c, carry):
        pltpu.sync_copy(src_hbm.at[pl.ds((sid * NCHUNK_NS + c) * 128, 128)], src_c)
        pltpu.sync_copy(
            dst_hbm.at[pl.ds(((cid * 16 + sid) * NCHUNK_NS + c) * 128, 128)],
            dst_c)
        pltpu.async_copy(p_hbm.at[src_c], buf0, sem0).wait()
        pltpu.sync_copy(buf0, acc.at[dst_c], add=True)
        return carry

    lax.fori_loop(0, NCHUNK_NS, body, 0)
    plsc.subcore_barrier()

    @pl.when(sid == 0)
    def _():
        pltpu.sync_copy(acc, out_hbm.at[cid])


_BLK = 1000


def _dis_body(s_ref, out_ref):
    out_ref[...] = lax.rsqrt(s_ref[...] + 1.0)


def _dis(s):
    return pl.pallas_call(
        _dis_body,
        grid=(N // _BLK,),
        in_specs=[pl.BlockSpec((_BLK, H), lambda i: (i, 0))],
        out_specs=pl.BlockSpec((_BLK, H), lambda i: (i, 0)),
        out_shape=jax.ShapeDtypeStruct((N, H), jnp.float32),
    )(s)


def _pre_body(x_ref, w_ref, dis_ref, out_ref):
    h = jnp.dot(x_ref[...], w_ref[...], preferred_element_type=jnp.float32)
    out_ref[...] = h * dis_ref[...]


def _pre(x, W1, dis_col):
    return pl.pallas_call(
        _pre_body,
        grid=(N // _BLK,),
        in_specs=[
            pl.BlockSpec((_BLK, D_IN), lambda i: (i, 0)),
            pl.BlockSpec((D_IN, H), lambda i: (0, 0)),
            pl.BlockSpec((_BLK, 1), lambda i: (i, 0)),
        ],
        out_specs=pl.BlockSpec((_BLK, H), lambda i: (i, 0)),
        out_shape=jax.ShapeDtypeStruct((N, H), jnp.float32),
    )(x, W1, dis_col)


def _mid_a_body(s_ref, p_ref, dis_ref, b_ref, y_ref, sum_ref, sq_ref):
    i = pl.program_id(0)
    y = (s_ref[...] + p_ref[...]) * dis_ref[...] + b_ref[...]
    y_ref[...] = y
    part_sum = jnp.sum(y, axis=0, keepdims=True)
    part_sq = jnp.sum(y * y, axis=0, keepdims=True)

    @pl.when(i == 0)
    def _():
        sum_ref[...] = part_sum
        sq_ref[...] = part_sq

    @pl.when(i > 0)
    def _():
        sum_ref[...] += part_sum
        sq_ref[...] += part_sq


def _mid_a(s, p, dis_col, b):
    return pl.pallas_call(
        _mid_a_body,
        grid=(N // _BLK,),
        in_specs=[
            pl.BlockSpec((_BLK, H), lambda i: (i, 0)),
            pl.BlockSpec((_BLK, H), lambda i: (i, 0)),
            pl.BlockSpec((_BLK, 1), lambda i: (i, 0)),
            pl.BlockSpec((1, H), lambda i: (0, 0)),
        ],
        out_specs=[
            pl.BlockSpec((_BLK, H), lambda i: (i, 0)),
            pl.BlockSpec((1, H), lambda i: (0, 0)),
            pl.BlockSpec((1, H), lambda i: (0, 0)),
        ],
        out_shape=[
            jax.ShapeDtypeStruct((N, H), jnp.float32),
            jax.ShapeDtypeStruct((1, H), jnp.float32),
            jax.ShapeDtypeStruct((1, H), jnp.float32),
        ],
    )(s, p, dis_col, b)


def _mid_b_body(y_ref, sum_ref, sq_ref, g_ref, be_ref, w_ref, dis_ref, out_ref):
    mean = sum_ref[...] * (1.0 / N)
    var = sq_ref[...] * (1.0 / N) - mean * mean
    inv = lax.rsqrt(var + 1e-5)
    z = (y_ref[...] - mean) * inv * g_ref[...] + be_ref[...]
    z = jnp.maximum(z, 0.0)
    h = jnp.dot(z, w_ref[...], preferred_element_type=jnp.float32)
    out_ref[...] = h * dis_ref[...]


def _mid_b(y, ysum, ysq, g, be, W, dis_col, d_out):
    return pl.pallas_call(
        _mid_b_body,
        grid=(N // _BLK,),
        in_specs=[
            pl.BlockSpec((_BLK, H), lambda i: (i, 0)),
            pl.BlockSpec((1, H), lambda i: (0, 0)),
            pl.BlockSpec((1, H), lambda i: (0, 0)),
            pl.BlockSpec((1, H), lambda i: (0, 0)),
            pl.BlockSpec((1, H), lambda i: (0, 0)),
            pl.BlockSpec((H, d_out), lambda i: (0, 0)),
            pl.BlockSpec((_BLK, 1), lambda i: (i, 0)),
        ],
        out_specs=pl.BlockSpec((_BLK, d_out), lambda i: (i, 0)),
        out_shape=jax.ShapeDtypeStruct((N, d_out), jnp.float32),
    )(y, ysum, ysq, g, be, W, dis_col)


def _final_body(s_ref, p_ref, dis_ref, b_ref, out_ref):
    y = (s_ref[...] + p_ref[...]) * dis_ref[...]
    y = y[:, :C] + b_ref[...]
    m = jnp.max(y, axis=1, keepdims=True)
    e = jnp.exp(y - m)
    lse = jnp.log(jnp.sum(e, axis=1, keepdims=True))
    out_ref[...] = y - m - lse


def _final(s, p, dis_col, b3):
    return pl.pallas_call(
        _final_body,
        grid=(N // _BLK,),
        in_specs=[
            pl.BlockSpec((_BLK, H), lambda i: (i, 0)),
            pl.BlockSpec((_BLK, H), lambda i: (i, 0)),
            pl.BlockSpec((_BLK, 1), lambda i: (i, 0)),
            pl.BlockSpec((1, C), lambda i: (0, 0)),
        ],
        out_specs=pl.BlockSpec((_BLK, C), lambda i: (i, 0)),
        out_shape=jax.ShapeDtypeStruct((N, C), jnp.float32),
    )(s, p, dis_col, b3)


def kernel(x, edge_index, W1, b1, W2, b2, W3, b3, g1, be1, g2, be2):
    src = edge_index[0].astype(jnp.int32)
    dst = edge_index[1].astype(jnp.int32)
    pad = jnp.full((E_PAD - E,), N, dtype=jnp.int32)
    src_flat = jnp.concatenate([src, pad])
    dst_flat = jnp.concatenate([dst, pad])

    dst0 = jnp.where(dst_flat < NR_HALF, dst_flat, NR_HALF)
    dst1 = jnp.where(dst_flat >= NR_HALF, dst_flat - NR_HALF, NR_HALF)
    dst1 = jnp.where(dst1 > NR_HALF, NR_HALF, dst1)
    dst_ns = jnp.concatenate([dst0, dst1])

    zeros128 = jnp.zeros((NR_ACC, 1, H), jnp.float32)
    ones_p = jnp.ones((NP, H), jnp.float32)

    Ws = jnp.stack([W2, jnp.pad(W3, ((0, 0), (0, H - C))),
                    jnp.zeros((H, H), jnp.float32)])
    b3p = jnp.pad(b3, (0, H - C)).reshape(1, H)
    bs = jnp.stack([b1.reshape(1, H), b2.reshape(1, H), b3p])
    gs = jnp.stack([g1.reshape(1, H), g2.reshape(1, H),
                    jnp.ones((1, H), jnp.float32)])
    bes = jnp.stack([be1.reshape(1, H), be2.reshape(1, H),
                     jnp.zeros((1, H), jnp.float32)])

    niter = jnp.int32(4) + jnp.min(dst) * 0

    def cond(st):
        return st[0] < niter

    def body(st):
        i, p_pad, _, _, dis_col = st
        part = _scatter128(p_pad.reshape(NP, 1, H), src_flat, dst_ns, zeros128)
        s = jnp.concatenate(
            [part[0, :NR_HALF, 0], part[1, :N - NR_HALF, 0]], axis=0)

        def f_deg(_):
            dcol = _dis(s)[:, :1]
            pn = _pre(x, W1, dcol)
            return jnp.pad(pn, ((0, NP - N), (0, 0))), dcol

        def f_layer(_):
            j = i - 1
            W = lax.dynamic_index_in_dim(Ws, j, keepdims=False)
            b = lax.dynamic_index_in_dim(bs, j, keepdims=False)
            g = lax.dynamic_index_in_dim(gs, j, keepdims=False)
            be = lax.dynamic_index_in_dim(bes, j, keepdims=False)
            y, ssum, ssq = _mid_a(s, p_pad[:N], dis_col, b)
            pn = _mid_b(y, ssum, ssq, g, be, W, dis_col, H)
            return jnp.pad(pn, ((0, NP - N), (0, 0))), dis_col

        pn_pad, dis_new = lax.cond(i == 0, f_deg, f_layer, 0)
        return (i + 1, pn_pad, p_pad, s, dis_new)

    init = (jnp.int32(0), ones_p, ones_p,
            jnp.zeros((N, H), jnp.float32), jnp.zeros((N, 1), jnp.float32))
    _, _, p3_pad, s3, dis_col = lax.while_loop(cond, body, init)

    return _final(s3, p3_pad[:N], dis_col, b3.reshape(1, C))

# --- scband reference (transcript-rebuilt; emitter-appended) ---
"""Pipeline reference for scband-gcn-9887014715508 (READ-ONLY COPY).

The authoritative reference and input builder live on the scoring server;
editing this copy changes nothing except your own understanding.
"""

import jax, jax.numpy as jnp
import numpy as np

N = 10000
E = 320000
D_IN = 128
H = 128
C = 40


def setup_inputs(seed: int = 0) -> dict:
    key = jax.random.key(seed)
    ks = jax.random.split(key, 14)
    x = jax.random.normal(ks[0], (N, D_IN), dtype=jnp.float32)
    edge_index = jax.random.randint(ks[1], (2, E), 0, N, dtype=jnp.int64)
    W1 = jax.random.normal(ks[2], (D_IN, H), dtype=jnp.float32) * (1.0 / np.sqrt(D_IN))
    b1 = jnp.zeros((H,), dtype=jnp.float32)
    W2 = jax.random.normal(ks[3], (H, H), dtype=jnp.float32) * (1.0 / np.sqrt(H))
    b2 = jnp.zeros((H,), dtype=jnp.float32)
    W3 = jax.random.normal(ks[4], (H, C), dtype=jnp.float32) * (1.0 / np.sqrt(H))
    b3 = jnp.zeros((C,), dtype=jnp.float32)
    g1 = jnp.ones((H,), dtype=jnp.float32)
    be1 = jnp.zeros((H,), dtype=jnp.float32)
    g2 = jnp.ones((H,), dtype=jnp.float32)
    be2 = jnp.zeros((H,), dtype=jnp.float32)
    return {"x": x, "edge_index": edge_index, "W1": W1, "b1": b1, "W2": W2, "b2": b2,
            "W3": W3, "b3": b3, "g1": g1, "be1": be1, "g2": g2, "be2": be2}


def gcn_conv(x, edge_index, W, b, n_nodes):
    # GCNConv: add self-loops, symmetric deg^{-1/2} normalization, linear transform, scatter-add
    loop = jnp.arange(n_nodes, dtype=edge_index.dtype)
    src = jnp.concatenate([edge_index[0], loop])
    dst = jnp.concatenate([edge_index[1], loop])
    deg = jax.ops.segment_sum(jnp.ones_like(dst, dtype=jnp.float32), dst, num_segments=n_nodes)
    dis = jnp.where(deg > 0, 1.0 / jnp.sqrt(deg), 0.0)
    norm = dis[src] * dis[dst]
    h = x @ W
    msg = h[src] * norm[:, None]
    out = jax.ops.segment_sum(msg, dst, num_segments=n_nodes)
    return out + b


def batch_norm(x, gamma, beta, eps=1e-5):
    m = jnp.mean(x, axis=0)
    v = jnp.var(x, axis=0)
    return (x - m) / jnp.sqrt(v + eps) * gamma + beta


def reference(x, edge_index, W1, b1, W2, b2, W3, b3, g1, be1, g2, be2):
    n = x.shape[0]
    h = gcn_conv(x, edge_index, W1, b1, n)
    h = jax.nn.relu(batch_norm(h, g1, be1))
    h = gcn_conv(h, edge_index, W2, b2, n)
    h = jax.nn.relu(batch_norm(h, g2, be2))
    h = gcn_conv(h, edge_index, W3, b3, n)
    return jax.nn.log_softmax(h, axis=-1)

if __name__ == "__main__":
    import jax
    _d = setup_inputs()
    print(jax.jit(kernel)(*tuple(_d.values())))

</pallas_src>

<mosaic_0001>
#map = affine_map<(d0, d1) -> (0, 0, 0)>
#map1 = affine_map<(d0, d1) -> (0)>
#map2 = affine_map<(d0, d1) -> (0, 0, 0, 0)>
module attributes {stable_mosaic.version = 14 : i64} {
  func.func @_scatter128(%arg0: i32, %arg1: i32, %arg2: memref<10240x1x128xf32, #tpu.memory_space<hbm>>, %arg3: memref<327680xi32, #tpu.memory_space<hbm>>, %arg4: memref<655360xi32, #tpu.memory_space<hbm>>, %arg5: memref<5248x1x128xf32, #tpu.memory_space<hbm>>, %arg6: memref<2x5248x1x128xf32, #tpu.memory_space<hbm>>, %arg7: memref<128xi32, #tpu.memory_space<vmem>>, %arg8: memref<128xi32, #tpu.memory_space<vmem>>, %arg9: memref<128x1x128xf32, #tpu.memory_space<vmem>>, %arg10: memref<5248x1x128xf32, #tpu.memory_space<vmem_shared>>, %arg11: memref<!tpu.dma_semaphore, #tpu.memory_space<semaphore_mem>>) attributes {dimension_semantics = [#tpu.dimension_semantics<core_parallel>, #tpu.dimension_semantics<subcore_parallel>], iteration_bounds = array<i64: 2, 16>, scalar_prefetch = 0 : i64, scratch_operands = 5 : i64, tpu.core_type = #tpu.core_type<sc_vector_subcore>, window_params = [{transform_indices = #map}, {transform_indices = #map1}, {transform_indices = #map1}, {transform_indices = #map}, {transform_indices = #map2}]} {
    %eq3A = arith.constant 0 : i32
    %eq3A_0 = arith.cmpi eq, %arg1, %eq3A : i32
    %convert_element_type3A = arith.extui %eq3A_0 : i1 to i32
    %cond3A = arith.constant 0 : i32
    %cond3A_1 = arith.cmpi ne, %convert_element_type3A, %cond3A : i32
    scf.if %cond3A_1 {
      "tpu.region"() ({
        %run_scoped3A = tpu.sem_alloc : memref<!tpu.dma_semaphore, #tpu.memory_space<semaphore_mem>>
        tpu.enqueue_dma source(%arg5 : memref<5248x1x128xf32, #tpu.memory_space<hbm>>) target(%arg10 : memref<5248x1x128xf32, #tpu.memory_space<vmem_shared>>) target_semaphore(%run_scoped3A : memref<!tpu.dma_semaphore, #tpu.memory_space<semaphore_mem>>)
        tpu.wait_dma2 semaphore(%run_scoped3A : memref<!tpu.dma_semaphore, #tpu.memory_space<semaphore_mem>>) src(%arg5 : memref<5248x1x128xf32, #tpu.memory_space<hbm>>) dst(%arg10 : memref<5248x1x128xf32, #tpu.memory_space<vmem_shared>>)
        tpu.yield
      }) : () -> ()
    } else {
    }
    %barrier3A = arith.constant 0 : index
    tpu.barrier barrier_id(%barrier3A)
    %scan3A = arith.constant 0 : i32
    %scan3A_2 = arith.constant 0 : i32
    %scan3A_3 = arith.constant 160 : i32
    %scan3A_4 = arith.addi %scan3A_2, %scan3A_3 : i32
    %scan3A_5 = arith.constant 1 : i32
    scf.for %scan3A_13 = %scan3A_2 to %scan3A_4 step %scan3A_5  : i32 {
      %mul3A = arith.constant 160 : i32
      %mul3A_14 = arith.muli %arg1, %mul3A : i32
      %add3A = arith.addi %mul3A_14, %scan3A_13 : i32
      %mul3A_15 = arith.constant 128 : i32
      %mul3A_16 = arith.muli %add3A, %mul3A_15 : i32
      "tpu.region"() ({
        %run_scoped3A = tpu.sem_alloc : memref<!tpu.dma_semaphore, #tpu.memory_space<semaphore_mem>>
        %dma_start3A_31 = tpu.memref_slice %arg3[%mul3A_16] : memref<327680xi32, #tpu.memory_space<hbm>> -> memref<128xi32, #tpu.memory_space<hbm>>
        %dma_start3A_32 = tpu.memref_slice %arg3[%mul3A_16] : memref<327680xi32, #tpu.memory_space<hbm>> -> memref<128xi32, #tpu.memory_space<hbm>>
        tpu.enqueue_dma source(%dma_start3A_32 : memref<128xi32, #tpu.memory_space<hbm>>) target(%arg7 : memref<128xi32, #tpu.memory_space<vmem>>) target_semaphore(%run_scoped3A : memref<!tpu.dma_semaphore, #tpu.memory_space<semaphore_mem>>)
        %dma_wait3A_33 = tpu.memref_slice %arg3[%mul3A_16] : memref<327680xi32, #tpu.memory_space<hbm>> -> memref<128xi32, #tpu.memory_space<hbm>>
        %dma_wait3A_34 = tpu.memref_slice %arg3[%mul3A_16] : memref<327680xi32, #tpu.memory_space<hbm>> -> memref<128xi32, #tpu.memory_space<hbm>>
        tpu.wait_dma2 semaphore(%run_scoped3A : memref<!tpu.dma_semaphore, #tpu.memory_space<semaphore_mem>>) src(%dma_wait3A_34 : memref<128xi32, #tpu.memory_space<hbm>>) dst(%arg7 : memref<128xi32, #tpu.memory_space<vmem>>)
        tpu.yield
      }) : () -> ()
      %mul3A_17 = arith.constant 16 : i32
      %mul3A_18 = arith.muli %arg0, %mul3A_17 : i32
      %add3A_19 = arith.addi %mul3A_18, %arg1 : i32
      %mul3A_20 = arith.constant 160 : i32
      %mul3A_21 = arith.muli %add3A_19, %mul3A_20 : i32
      %add3A_22 = arith.addi %mul3A_21, %scan3A_13 : i32
      %mul3A_23 = arith.constant 128 : i32
      %mul3A_24 = arith.muli %add3A_22, %mul3A_23 : i32
      "tpu.region"() ({
        %run_scoped3A = tpu.sem_alloc : memref<!tpu.dma_semaphore, #tpu.memory_space<semaphore_mem>>
        %dma_start3A_31 = tpu.memref_slice %arg4[%mul3A_24] : memref<655360xi32, #tpu.memory_space<hbm>> -> memref<128xi32, #tpu.memory_space<hbm>>
        %dma_start3A_32 = tpu.memref_slice %arg4[%mul3A_24] : memref<655360xi32, #tpu.memory_space<hbm>> -> memref<128xi32, #tpu.memory_space<hbm>>
        tpu.enqueue_dma source(%dma_start3A_32 : memref<128xi32, #tpu.memory_space<hbm>>) target(%arg8 : memref<128xi32, #tpu.memory_space<vmem>>) target_semaphore(%run_scoped3A : memref<!tpu.dma_semaphore, #tpu.memory_space<semaphore_mem>>)
        %dma_wait3A_33 = tpu.memref_slice %arg4[%mul3A_24] : memref<655360xi32, #tpu.memory_space<hbm>> -> memref<128xi32, #tpu.memory_space<hbm>>
        %dma_wait3A_34 = tpu.memref_slice %arg4[%mul3A_24] : memref<655360xi32, #tpu.memory_space<hbm>> -> memref<128xi32, #tpu.memory_space<hbm>>
        tpu.wait_dma2 semaphore(%run_scoped3A : memref<!tpu.dma_semaphore, #tpu.memory_space<semaphore_mem>>) src(%dma_wait3A_34 : memref<128xi32, #tpu.memory_space<hbm>>) dst(%arg8 : memref<128xi32, #tpu.memory_space<vmem>>)
        tpu.yield
      }) : () -> ()
      %dma_start3A = arith.constant 0 : i32
      %dma_start3A_25 = arith.constant 0 : i32
      %dma_start3A_26 = arith.constant 0 : i32
      %dma_start3A_27 = tpu.memref_slice %arg2[%dma_start3A, %dma_start3A_25, %dma_start3A_26] : memref<10240x1x128xf32, #tpu.memory_space<hbm>> -> memref<10240x1x128xf32, #tpu.memory_space<hbm>>
      tpu.enqueue_indirect_dma source(%dma_start3A_27 : memref<10240x1x128xf32, #tpu.memory_space<hbm>>) target(%arg9 : memref<128x1x128xf32, #tpu.memory_space<vmem>>) offsets(%arg7 : memref<128xi32, #tpu.memory_space<vmem>>) semaphore(%arg11 : memref<!tpu.dma_semaphore, #tpu.memory_space<semaphore_mem>>)
      %dma_wait3A = arith.constant 0 : i32
      %dma_wait3A_28 = arith.constant 0 : i32
      %dma_wait3A_29 = arith.constant 0 : i32
      %dma_wait3A_30 = tpu.memref_slice %arg2[%dma_wait3A, %dma_wait3A_28, %dma_wait3A_29] : memref<10240x1x128xf32, #tpu.memory_space<hbm>> -> memref<10240x1x128xf32, #tpu.memory_space<hbm>>
      tpu.wait_indirect_dma semaphore(%arg11 : memref<!tpu.dma_semaphore, #tpu.memory_space<semaphore_mem>>) src(%dma_wait3A_30 : memref<10240x1x128xf32, #tpu.memory_space<hbm>>) dst(%arg9 : memref<128x1x128xf32, #tpu.memory_space<vmem>>)
      "tpu.region"() ({
        %run_scoped3A = tpu.sem_alloc : memref<!tpu.dma_semaphore, #tpu.memory_space<semaphore_mem>>
        %dma_start3A_31 = arith.constant 0 : i32
        %dma_start3A_32 = arith.constant 0 : i32
        %dma_start3A_33 = arith.constant 0 : i32
        %dma_start3A_34 = tpu.memref_slice %arg10[%dma_start3A_31, %dma_start3A_32, %dma_start3A_33] : memref<5248x1x128xf32, #tpu.memory_space<vmem_shared>> -> memref<5248x1x128xf32, #tpu.memory_space<vmem_shared>>
        tpu.enqueue_indirect_dma source(%arg9 : memref<128x1x128xf32, #tpu.memory_space<vmem>>) target(%dma_start3A_34 : memref<5248x1x128xf32, #tpu.memory_space<vmem_shared>>) offsets(%arg8 : memref<128xi32, #tpu.memory_space<vmem>>) semaphore(%run_scoped3A : memref<!tpu.dma_semaphore, #tpu.memory_space<semaphore_mem>>) {add = true}
        %dma_wait3A_35 = arith.constant 0 : i32
        %dma_wait3A_36 = arith.constant 0 : i32
        %dma_wait3A_37 = arith.constant 0 : i32
        %dma_wait3A_38 = tpu.memref_slice %arg10[%dma_wait3A_35, %dma_wait3A_36, %dma_wait3A_37] : memref<5248x1x128xf32, #tpu.memory_space<vmem_shared>> -> memref<5248x1x128xf32, #tpu.memory_space<vmem_shared>>
        tpu.wait_indirect_dma semaphore(%run_scoped3A : memref<!tpu.dma_semaphore, #tpu.memory_space<semaphore_mem>>) src(%arg9 : memref<128x1x128xf32, #tpu.memory_space<vmem>>) dst(%dma_wait3A_38 : memref<5248x1x128xf32, #tpu.memory_space<vmem_shared>>)
        tpu.yield
      }) : () -> ()
    }
    %scan3A_6 = arith.constant 160 : i32
    %barrier3A_7 = arith.constant 0 : index
    tpu.barrier barrier_id(%barrier3A_7)
    %eq3A_8 = arith.constant 0 : i32
    %eq3A_9 = arith.cmpi eq, %arg1, %eq3A_8 : i32
    %convert_element_type3A_10 = arith.extui %eq3A_9 : i1 to i32
    %cond3A_11 = arith.constant 0 : i32
    %cond3A_12 = arith.cmpi ne, %convert_element_type3A_10, %cond3A_11 : i32
    scf.if %cond3A_12 {
      "tpu.region"() ({
        %run_scoped3A = tpu.sem_alloc : memref<!tpu.dma_semaphore, #tpu.memory_space<semaphore_mem>>
        %dma_start3A = arith.constant 0 : i32
        %dma_start3A_13 = arith.constant 0 : i32
        %dma_start3A_14 = arith.constant 0 : i32
        %dma_start3A_15 = tpu.memref_slice %arg6[%arg0, %dma_start3A, %dma_start3A_13, %dma_start3A_14] : memref<2x5248x1x128xf32, #tpu.memory_space<hbm>> -> memref<1x5248x1x128xf32, #tpu.memory_space<hbm>>
        %dma_start3A_16 = tpu.memref_squeeze %dma_start3A_15 : memref<1x5248x1x128xf32, #tpu.memory_space<hbm>> -> memref<5248x1x128xf32, #tpu.memory_space<hbm>>
        tpu.enqueue_dma source(%arg10 : memref<5248x1x128xf32, #tpu.memory_space<vmem_shared>>) target(%dma_start3A_16 : memref<5248x1x128xf32, #tpu.memory_space<hbm>>) target_semaphore(%run_scoped3A : memref<!tpu.dma_semaphore, #tpu.memory_space<semaphore_mem>>)
        %dma_wait3A = arith.constant 0 : i32
        %dma_wait3A_17 = arith.constant 0 : i32
        %dma_wait3A_18 = arith.constant 0 : i32
        %dma_wait3A_19 = tpu.memref_slice %arg6[%arg0, %dma_wait3A, %dma_wait3A_17, %dma_wait3A_18] : memref<2x5248x1x128xf32, #tpu.memory_space<hbm>> -> memref<1x5248x1x128xf32, #tpu.memory_space<hbm>>
        %dma_wait3A_20 = tpu.memref_squeeze %dma_wait3A_19 : memref<1x5248x1x128xf32, #tpu.memory_space<hbm>> -> memref<5248x1x128xf32, #tpu.memory_space<hbm>>
        tpu.wait_dma2 semaphore(%run_scoped3A : memref<!tpu.dma_semaphore, #tpu.memory_space<semaphore_mem>>) src(%arg10 : memref<5248x1x128xf32, #tpu.memory_space<vmem_shared>>) dst(%dma_wait3A_20 : memref<5248x1x128xf32, #tpu.memory_space<hbm>>)
        tpu.yield
      }) : () -> ()
    } else {
    }
    return
  }
}

module attributes {stable_mosaic.version = 14 : i64} {
  func.func @_mid_a_body(%arg0: i32, %arg1: memref<1000x128xf32, #tpu.memory_space<vmem>>, %arg2: memref<1000x128xf32, #tpu.memory_space<vmem>>, %arg3: memref<1000x1xf32, #tpu.memory_space<vmem>>, %arg4: memref<1x128xf32, #tpu.memory_space<vmem>>, %arg5: memref<1000x128xf32, #tpu.memory_space<vmem>>, %arg6: memref<1x128xf32, #tpu.memory_space<vmem>>, %arg7: memref<1x128xf32, #tpu.memory_space<vmem>>) attributes {dimension_semantics = [#tpu.dimension_semantics<arbitrary>], iteration_bounds = array<i64: 10>, scalar_prefetch = 0 : i64, scratch_operands = 0 : i64, tpu.core_type = #tpu.core_type<tc>, window_params = [{transform_indices = @transform_0, window_bounds = array<i64: 1000, 128>}, {transform_indices = @transform_1, window_bounds = array<i64: 1000, 128>}, {transform_indices = @transform_2, window_bounds = array<i64: 1000, 1>}, {pipeline_mode = #tpu.pipeline_mode<synchronous>, transform_indices = @transform_3, window_bounds = array<i64: 1, 128>}, {transform_indices = @transform_4, window_bounds = array<i64: 1000, 128>}, {pipeline_mode = #tpu.pipeline_mode<synchronous>, transform_indices = @transform_5, window_bounds = array<i64: 1, 128>}, {pipeline_mode = #tpu.pipeline_mode<synchronous>, transform_indices = @transform_6, window_bounds = array<i64: 1, 128>}]} {
    %get3A = arith.constant 0 : index
    %get3A_0 = arith.constant 0 : index
    %get3A_1 = vector.load %arg1[%get3A, %get3A_0] : memref<1000x128xf32, #tpu.memory_space<vmem>>, vector<1000x128xf32>
    %get3A_2 = arith.constant 0 : index
    %get3A_3 = arith.constant 0 : index
    %get3A_4 = vector.load %arg2[%get3A_2, %get3A_3] : memref<1000x128xf32, #tpu.memory_space<vmem>>, vector<1000x128xf32>
    %add3A = arith.addf %get3A_1, %get3A_4 : vector<1000x128xf32>
    %get3A_5 = arith.constant 0 : index
    %get3A_6 = arith.constant 0 : index
    %get3A_7 = vector.load %arg3[%get3A_5, %get3A_6] : memref<1000x1xf32, #tpu.memory_space<vmem>>, vector<1000x1xf32>
    %mul3A = vector.broadcast %get3A_7 : vector<1000x1xf32> to vector<1000x128xf32>
    %mul3A_8 = arith.mulf %add3A, %mul3A : vector<1000x128xf32>
    %get3A_9 = arith.constant 0 : index
    %get3A_10 = arith.constant 0 : index
    %get3A_11 = vector.load %arg4[%get3A_9, %get3A_10] : memref<1x128xf32, #tpu.memory_space<vmem>>, vector<1x128xf32>
    %add3A_12 = vector.broadcast %get3A_11 : vector<1x128xf32> to vector<1000x128xf32>
    %add3A_13 = arith.addf %mul3A_8, %add3A_12 : vector<1000x128xf32>
    %swap3A = arith.constant 0 : index
    %swap3A_14 = arith.constant 0 : index
    %swap3A_15 = vector.load %arg5[%swap3A, %swap3A_14] : memref<1000x128xf32, #tpu.memory_space<vmem>>, vector<1000x128xf32>
    tpu.vector_store %arg5[%swap3A, %swap3A_14], %add3A_13 {strides = array<i32>} : memref<1000x128xf32, #tpu.memory_space<vmem>>, vector<1000x128xf32>,
    %reduce_sum3A = arith.constant dense<0.000000e+00> : vector<128xf32>
    %reduce_sum3A_16 = vector.multi_reduction <add>, %add3A_13, %reduce_sum3A [0] : vector<1000x128xf32> to vector<128xf32>
    %broadcast_in_dim3A = vector.shape_cast %reduce_sum3A_16 : vector<128xf32> to vector<1x128xf32>
    %mul3A_17 = arith.mulf %add3A_13, %add3A_13 : vector<1000x128xf32>
    %reduce_sum3A_18 = arith.constant dense<0.000000e+00> : vector<128xf32>
    %reduce_sum3A_19 = vector.multi_reduction <add>, %mul3A_17, %reduce_sum3A_18 [0] : vector<1000x128xf32> to vector<128xf32>
    %broadcast_in_dim3A_20 = vector.shape_cast %reduce_sum3A_19 : vector<128xf32> to vector<1x128xf32>
    %eq3A = arith.constant 0 : i32
    %eq3A_21 = arith.cmpi eq, %arg0, %eq3A : i32
    %convert_element_type3A = arith.extui %eq3A_21 : i1 to i32
    %cond3A = arith.constant 0 : i32
    %cond3A_22 = arith.cmpi ne, %convert_element_type3A, %cond3A : i32
    scf.if %cond3A_22 {
      %swap3A_27 = arith.constant 0 : index
      %swap3A_28 = arith.constant 0 : index
      %swap3A_29 = vector.load %arg6[%swap3A_27, %swap3A_28] : memref<1x128xf32, #tpu.memory_space<vmem>>, vector<1x128xf32>
      tpu.vector_store %arg6[%swap3A_27, %swap3A_28], %broadcast_in_dim3A {strides = array<i32>} : memref<1x128xf32, #tpu.memory_space<vmem>>, vector<1x128xf32>,
      %swap3A_30 = arith.constant 0 : index
      %swap3A_31 = arith.constant 0 : index
      %swap3A_32 = vector.load %arg7[%swap3A_30, %swap3A_31] : memref<1x128xf32, #tpu.memory_space<vmem>>, vector<1x128xf32>
      tpu.vector_store %arg7[%swap3A_30, %swap3A_31], %broadcast_in_dim3A_20 {strides = array<i32>} : memref<1x128xf32, #tpu.memory_space<vmem>>, vector<1x128xf32>,
    } else {
    }
    %gt3A = arith.constant 0 : i32
    %gt3A_23 = arith.cmpi sgt, %arg0, %gt3A : i32
    %convert_element_type3A_24 = arith.extui %gt3A_23 : i1 to i32
    %cond3A_25 = arith.constant 0 : i32
    %cond3A_26 = arith.cmpi ne, %convert_element_type3A_24, %cond3A_25 : i32
    scf.if %cond3A_26 {
      %get3A_27 = arith.constant 0 : index
      %get3A_28 = arith.constant 0 : index
      %get3A_29 = vector.load %arg6[%get3A_27, %get3A_28] : memref<1x128xf32, #tpu.memory_space<vmem>>, vector<1x128xf32>
      %add3A_30 = arith.addf %get3A_29, %broadcast_in_dim3A : vector<1x128xf32>
      %swap3A_31 = arith.constant 0 : index
      %swap3A_32 = arith.constant 0 : index
      %swap3A_33 = vector.load %arg6[%swap3A_31, %swap3A_32] : memref<1x128xf32, #tpu.memory_space<vmem>>, vector<1x128xf32>
      tpu.vector_store %arg6[%swap3A_31, %swap3A_32], %add3A_30 {strides = array<i32>} : memref<1x128xf32, #tpu.memory_space<vmem>>, vector<1x128xf32>,
      %get3A_34 = arith.constant 0 : index
      %get3A_35 = arith.constant 0 : index
      %get3A_36 = vector.load %arg7[%get3A_34, %get3A_35] : memref<1x128xf32, #tpu.memory_space<vmem>>, vector<1x128xf32>
      %add3A_37 = arith.addf %get3A_36, %broadcast_in_dim3A_20 : vector<1x128xf32>
      %swap3A_38 = arith.constant 0 : index
      %swap3A_39 = arith.constant 0 : index
      %swap3A_40 = vector.load %arg7[%swap3A_38, %swap3A_39] : memref<1x128xf32, #tpu.memory_space<vmem>>, vector<1x128xf32>
      tpu.vector_store %arg7[%swap3A_38, %swap3A_39], %add3A_37 {strides = array<i32>} : memref<1x128xf32, #tpu.memory_space<vmem>>, vector<1x128xf32>,
    } else {
    }
    return
  }
  func.func @transform_0(%arg0: i32) -> (i32, i32) {
    %c0_i32 = arith.constant 0 : i32
    %c0_i32_0 = arith.constant 0 : i32
    return %arg0, %c0_i32 : i32, i32
  }
  func.func @transform_1(%arg0: i32) -> (i32, i32) {
    %c0_i32 = arith.constant 0 : i32
    %c0_i32_0 = arith.constant 0 : i32
    return %arg0, %c0_i32 : i32, i32
  }
  func.func @transform_2(%arg0: i32) -> (i32, i32) {
    %c0_i32 = arith.constant 0 : i32
    %c0_i32_0 = arith.constant 0 : i32
    return %arg0, %c0_i32 : i32, i32
  }
  func.func @transform_3(%arg0: i32) -> (i32, i32) {
    %c0_i32 = arith.constant 0 : i32
    %c0_i32_0 = arith.constant 0 : i32
    %c0_i32_1 = arith.constant 0 : i32
    return %c0_i32, %c0_i32_0 : i32, i32
  }
  func.func @transform_4(%arg0: i32) -> (i32, i32) {
    %c0_i32 = arith.constant 0 : i32
    %c0_i32_0 = arith.constant 0 : i32
    return %arg0, %c0_i32 : i32, i32
  }
  func.func @transform_5(%arg0: i32) -> (i32, i32) {
    %c0_i32 = arith.constant 0 : i32
    %c0_i32_0 = arith.constant 0 : i32
    %c0_i32_1 = arith.constant 0 : i32
    return %c0_i32, %c0_i32_0 : i32, i32
  }
  func.func @transform_6(%arg0: i32) -> (i32, i32) {
    %c0_i32 = arith.constant 0 : i32
    %c0_i32_0 = arith.constant 0 : i32
    %c0_i32_1 = arith.constant 0 : i32
    return %c0_i32, %c0_i32_0 : i32, i32
  }
}

module attributes {stable_mosaic.version = 14 : i64} {
  func.func @_mid_b_body(%arg0: i32, %arg1: memref<1000x128xf32, #tpu.memory_space<vmem>>, %arg2: memref<1x128xf32, #tpu.memory_space<vmem>>, %arg3: memref<1x128xf32, #tpu.memory_space<vmem>>, %arg4: memref<1x128xf32, #tpu.memory_space<vmem>>, %arg5: memref<1x128xf32, #tpu.memory_space<vmem>>, %arg6: memref<128x128xf32, #tpu.memory_space<vmem>>, %arg7: memref<1000x1xf32, #tpu.memory_space<vmem>>, %arg8: memref<1000x128xf32, #tpu.memory_space<vmem>>) attributes {dimension_semantics = [#tpu.dimension_semantics<arbitrary>], iteration_bounds = array<i64: 10>, scalar_prefetch = 0 : i64, scratch_operands = 0 : i64, tpu.core_type = #tpu.core_type<tc>, window_params = [{transform_indices = @transform_0, window_bounds = array<i64: 1000, 128>}, {pipeline_mode = #tpu.pipeline_mode<synchronous>, transform_indices = @transform_1, window_bounds = array<i64: 1, 128>}, {pipeline_mode = #tpu.pipeline_mode<synchronous>, transform_indices = @transform_2, window_bounds = array<i64: 1, 128>}, {pipeline_mode = #tpu.pipeline_mode<synchronous>, transform_indices = @transform_3, window_bounds = array<i64: 1, 128>}, {pipeline_mode = #tpu.pipeline_mode<synchronous>, transform_indices = @transform_4, window_bounds = array<i64: 1, 128>}, {pipeline_mode = #tpu.pipeline_mode<synchronous>, transform_indices = @transform_5, window_bounds = array<i64: 128, 128>}, {transform_indices = @transform_6, window_bounds = array<i64: 1000, 1>}, {transform_indices = @transform_7, window_bounds = array<i64: 1000, 128>}]} {
    %get3A = arith.constant 0 : index
    %get3A_0 = arith.constant 0 : index
    %get3A_1 = vector.load %arg2[%get3A, %get3A_0] : memref<1x128xf32, #tpu.memory_space<vmem>>, vector<1x128xf32>
    %mul3A = arith.constant 9.99999974E-5 : f32
    %mul3A_2 = vector.broadcast %mul3A : f32 to vector<1x128xf32>
    %mul3A_3 = arith.mulf %get3A_1, %mul3A_2 : vector<1x128xf32>
    %get3A_4 = arith.constant 0 : index
    %get3A_5 = arith.constant 0 : index
    %get3A_6 = vector.load %arg3[%get3A_4, %get3A_5] : memref<1x128xf32, #tpu.memory_space<vmem>>, vector<1x128xf32>
    %mul3A_7 = arith.constant 9.99999974E-5 : f32
    %mul3A_8 = vector.broadcast %mul3A_7 : f32 to vector<1x128xf32>
    %mul3A_9 = arith.mulf %get3A_6, %mul3A_8 : vector<1x128xf32>
    %mul3A_10 = arith.mulf %mul3A_3, %mul3A_3 : vector<1x128xf32>
    %sub3A = arith.subf %mul3A_9, %mul3A_10 : vector<1x128xf32>
    %add3A = arith.constant 9.99999974E-6 : f32
    %add3A_11 = vector.broadcast %add3A : f32 to vector<1x128xf32>
    %add3A_12 = arith.addf %sub3A, %add3A_11 : vector<1x128xf32>
    %rsqrt3A = math.rsqrt %add3A_12 : vector<1x128xf32>
    %get3A_13 = arith.constant 0 : index
    %get3A_14 = arith.constant 0 : index
    %get3A_15 = vector.load %arg1[%get3A_13, %get3A_14] : memref<1000x128xf32, #tpu.memory_space<vmem>>, vector<1000x128xf32>
    %sub3A_16 = vector.broadcast %mul3A_3 : vector<1x128xf32> to vector<1000x128xf32>
    %sub3A_17 = arith.subf %get3A_15, %sub3A_16 : vector<1000x128xf32>
    %mul3A_18 = vector.broadcast %rsqrt3A : vector<1x128xf32> to vector<1000x128xf32>
    %mul3A_19 = arith.mulf %sub3A_17, %mul3A_18 : vector<1000x128xf32>
    %get3A_20 = arith.constant 0 : index
    %get3A_21 = arith.constant 0 : index
    %get3A_22 = vector.load %arg4[%get3A_20, %get3A_21] : memref<1x128xf32, #tpu.memory_space<vmem>>, vector<1x128xf32>
    %mul3A_23 = vector.broadcast %get3A_22 : vector<1x128xf32> to vector<1000x128xf32>
    %mul3A_24 = arith.mulf %mul3A_19, %mul3A_23 : vector<1000x128xf32>
    %get3A_25 = arith.constant 0 : index
    %get3A_26 = arith.constant 0 : index
    %get3A_27 = vector.load %arg5[%get3A_25, %get3A_26] : memref<1x128xf32, #tpu.memory_space<vmem>>, vector<1x128xf32>
    %add3A_28 = vector.broadcast %get3A_27 : vector<1x128xf32> to vector<1000x128xf32>
    %add3A_29 = arith.addf %mul3A_24, %add3A_28 : vector<1000x128xf32>
    %max3A = arith.constant 0.000000e+00 : f32
    %max3A_30 = vector.broadcast %max3A : f32 to vector<1000x128xf32>
    %max3A_31 = arith.maximumf %add3A_29, %max3A_30 : vector<1000x128xf32>
    %get3A_32 = arith.constant 0 : index
    %get3A_33 = arith.constant 0 : index
    %get3A_34 = vector.load %arg6[%get3A_32, %get3A_33] : memref<128x128xf32, #tpu.memory_space<vmem>>, vector<128x128xf32>
    %dot_general3A = arith.constant dense<0.000000e+00> : vector<1000x128xf32>
    %dot_general3A_35 = tpu.matmul %max3A_31, %get3A_34, %dot_general3A {dimension_numbers = #tpu.dot_dimension_numbers<[1], [0], [0], [1], [0, 0, 1, 1], [], []>, transpose_lhs_hint = false} : vector<1000x128xf32>, vector<128x128xf32>, vector<1000x128xf32> -> vector<1000x128xf32>
    %get3A_36 = arith.constant 0 : index
    %get3A_37 = arith.constant 0 : index
    %get3A_38 = vector.load %arg7[%get3A_36, %get3A_37] : memref<1000x1xf32, #tpu.memory_space<vmem>>, vector<1000x1xf32>
    %mul3A_39 = vector.broadcast %get3A_38 : vector<1000x1xf32> to vector<1000x128xf32>
    %mul3A_40 = arith.mulf %dot_general3A_35, %mul3A_39 : vector<1000x128xf32>
    %swap3A = arith.constant 0 : index
    %swap3A_41 = arith.constant 0 : index
    %swap3A_42 = vector.load %arg8[%swap3A, %swap3A_41] : memref<1000x128xf32, #tpu.memory_space<vmem>>, vector<1000x128xf32>
    tpu.vector_store %arg8[%swap3A, %swap3A_41], %mul3A_40 {strides = array<i32>} : memref<1000x128xf32, #tpu.memory_space<vmem>>, vector<1000x128xf32>,
    return
  }
  func.func @transform_0(%arg0: i32) -> (i32, i32) {
    %c0_i32 = arith.constant 0 : i32
    %c0_i32_0 = arith.constant 0 : i32
    return %arg0, %c0_i32 : i32, i32
  }
  func.func @transform_1(%arg0: i32) -> (i32, i32) {
    %c0_i32 = arith.constant 0 : i32
    %c0_i32_0 = arith.constant 0 : i32
    %c0_i32_1 = arith.constant 0 : i32
    return %c0_i32, %c0_i32_0 : i32, i32
  }
  func.func @transform_2(%arg0: i32) -> (i32, i32) {
    %c0_i32 = arith.constant 0 : i32
    %c0_i32_0 = arith.constant 0 : i32
    %c0_i32_1 = arith.constant 0 : i32
    return %c0_i32, %c0_i32_0 : i32, i32
  }
  func.func @transform_3(%arg0: i32) -> (i32, i32) {
    %c0_i32 = arith.constant 0 : i32
    %c0_i32_0 = arith.constant 0 : i32
    %c0_i32_1 = arith.constant 0 : i32
    return %c0_i32, %c0_i32_0 : i32, i32
  }
  func.func @transform_4(%arg0: i32) -> (i32, i32) {
    %c0_i32 = arith.constant 0 : i32
    %c0_i32_0 = arith.constant 0 : i32
    %c0_i32_1 = arith.constant 0 : i32
    return %c0_i32, %c0_i32_0 : i32, i32
  }
  func.func @transform_5(%arg0: i32) -> (i32, i32) {
    %c0_i32 = arith.constant 0 : i32
    %c0_i32_0 = arith.constant 0 : i32
    %c0_i32_1 = arith.constant 0 : i32
    return %c0_i32, %c0_i32_0 : i32, i32
  }
  func.func @transform_6(%arg0: i32) -> (i32, i32) {
    %c0_i32 = arith.constant 0 : i32
    %c0_i32_0 = arith.constant 0 : i32
    return %arg0, %c0_i32 : i32, i32
  }
  func.func @transform_7(%arg0: i32) -> (i32, i32) {
    %c0_i32 = arith.constant 0 : i32
    %c0_i32_0 = arith.constant 0 : i32
    return %arg0, %c0_i32 : i32, i32
  }
}

module attributes {stable_mosaic.version = 14 : i64} {
  func.func @_dis_body(%arg0: i32, %arg1: memref<1000x128xf32, #tpu.memory_space<vmem>>, %arg2: memref<1000x128xf32, #tpu.memory_space<vmem>>) attributes {dimension_semantics = [#tpu.dimension_semantics<arbitrary>], iteration_bounds = array<i64: 10>, scalar_prefetch = 0 : i64, scratch_operands = 0 : i64, tpu.core_type = #tpu.core_type<tc>, window_params = [{transform_indices = @transform_0, window_bounds = array<i64: 1000, 128>}, {transform_indices = @transform_1, window_bounds = array<i64: 1000, 128>}]} {
    %get3A = arith.constant 0 : index
    %get3A_0 = arith.constant 0 : index
    %get3A_1 = vector.load %arg1[%get3A, %get3A_0] : memref<1000x128xf32, #tpu.memory_space<vmem>>, vector<1000x128xf32>
    %add3A = arith.constant 1.000000e+00 : f32
    %add3A_2 = vector.broadcast %add3A : f32 to vector<1000x128xf32>
    %add3A_3 = arith.addf %get3A_1, %add3A_2 : vector<1000x128xf32>
    %rsqrt3A = math.rsqrt %add3A_3 : vector<1000x128xf32>
    %swap3A = arith.constant 0 : index
    %swap3A_4 = arith.constant 0 : index
    %swap3A_5 = vector.load %arg2[%swap3A, %swap3A_4] : memref<1000x128xf32, #tpu.memory_space<vmem>>, vector<1000x128xf32>
    tpu.vector_store %arg2[%swap3A, %swap3A_4], %rsqrt3A {strides = array<i32>} : memref<1000x128xf32, #tpu.memory_space<vmem>>, vector<1000x128xf32>,
    return
  }
  func.func @transform_0(%arg0: i32) -> (i32, i32) {
    %c0_i32 = arith.constant 0 : i32
    %c0_i32_0 = arith.constant 0 : i32
    return %arg0, %c0_i32 : i32, i32
  }
  func.func @transform_1(%arg0: i32) -> (i32, i32) {
    %c0_i32 = arith.constant 0 : i32
    %c0_i32_0 = arith.constant 0 : i32
    return %arg0, %c0_i32 : i32, i32
  }
}

module attributes {stable_mosaic.version = 14 : i64} {
  func.func @_pre_body(%arg0: i32, %arg1: memref<1000x128xf32, #tpu.memory_space<vmem>>, %arg2: memref<128x128xf32, #tpu.memory_space<vmem>>, %arg3: memref<1000x1xf32, #tpu.memory_space<vmem>>, %arg4: memref<1000x128xf32, #tpu.memory_space<vmem>>) attributes {dimension_semantics = [#tpu.dimension_semantics<arbitrary>], iteration_bounds = array<i64: 10>, scalar_prefetch = 0 : i64, scratch_operands = 0 : i64, tpu.core_type = #tpu.core_type<tc>, window_params = [{transform_indices = @transform_0, window_bounds = array<i64: 1000, 128>}, {pipeline_mode = #tpu.pipeline_mode<synchronous>, transform_indices = @transform_1, window_bounds = array<i64: 128, 128>}, {transform_indices = @transform_2, window_bounds = array<i64: 1000, 1>}, {transform_indices = @transform_3, window_bounds = array<i64: 1000, 128>}]} {
    %get3A = arith.constant 0 : index
    %get3A_0 = arith.constant 0 : index
    %get3A_1 = vector.load %arg1[%get3A, %get3A_0] : memref<1000x128xf32, #tpu.memory_space<vmem>>, vector<1000x128xf32>
    %get3A_2 = arith.constant 0 : index
    %get3A_3 = arith.constant 0 : index
    %get3A_4 = vector.load %arg2[%get3A_2, %get3A_3] : memref<128x128xf32, #tpu.memory_space<vmem>>, vector<128x128xf32>
    %dot_general3A = arith.constant dense<0.000000e+00> : vector<1000x128xf32>
    %dot_general3A_5 = tpu.matmul %get3A_1, %get3A_4, %dot_general3A {dimension_numbers = #tpu.dot_dimension_numbers<[1], [0], [0], [1], [0, 0, 1, 1], [], []>, transpose_lhs_hint = false} : vector<1000x128xf32>, vector<128x128xf32>, vector<1000x128xf32> -> vector<1000x128xf32>
    %get3A_6 = arith.constant 0 : index
    %get3A_7 = arith.constant 0 : index
    %get3A_8 = vector.load %arg3[%get3A_6, %get3A_7] : memref<1000x1xf32, #tpu.memory_space<vmem>>, vector<1000x1xf32>
    %mul3A = vector.broadcast %get3A_8 : vector<1000x1xf32> to vector<1000x128xf32>
    %mul3A_9 = arith.mulf %dot_general3A_5, %mul3A : vector<1000x128xf32>
    %swap3A = arith.constant 0 : index
    %swap3A_10 = arith.constant 0 : index
    %swap3A_11 = vector.load %arg4[%swap3A, %swap3A_10] : memref<1000x128xf32, #tpu.memory_space<vmem>>, vector<1000x128xf32>
    tpu.vector_store %arg4[%swap3A, %swap3A_10], %mul3A_9 {strides = array<i32>} : memref<1000x128xf32, #tpu.memory_space<vmem>>, vector<1000x128xf32>,
    return
  }
  func.func @transform_0(%arg0: i32) -> (i32, i32) {
    %c0_i32 = arith.constant 0 : i32
    %c0_i32_0 = arith.constant 0 : i32
    return %arg0, %c0_i32 : i32, i32
  }
  func.func @transform_1(%arg0: i32) -> (i32, i32) {
    %c0_i32 = arith.constant 0 : i32
    %c0_i32_0 = arith.constant 0 : i32
    %c0_i32_1 = arith.constant 0 : i32
    return %c0_i32, %c0_i32_0 : i32, i32
  }
  func.func @transform_2(%arg0: i32) -> (i32, i32) {
    %c0_i32 = arith.constant 0 : i32
    %c0_i32_0 = arith.constant 0 : i32
    return %arg0, %c0_i32 : i32, i32
  }
  func.func @transform_3(%arg0: i32) -> (i32, i32) {
    %c0_i32 = arith.constant 0 : i32
    %c0_i32_0 = arith.constant 0 : i32
    return %arg0, %c0_i32 : i32, i32
  }
}

module attributes {stable_mosaic.version = 14 : i64} {
  func.func @_final_body(%arg0: i32, %arg1: memref<1000x128xf32, #tpu.memory_space<vmem>>, %arg2: memref<1000x128xf32, #tpu.memory_space<vmem>>, %arg3: memref<1000x1xf32, #tpu.memory_space<vmem>>, %arg4: memref<1x40xf32, #tpu.memory_space<vmem>>, %arg5: memref<1000x40xf32, #tpu.memory_space<vmem>>) attributes {dimension_semantics = [#tpu.dimension_semantics<arbitrary>], iteration_bounds = array<i64: 10>, scalar_prefetch = 0 : i64, scratch_operands = 0 : i64, tpu.core_type = #tpu.core_type<tc>, window_params = [{transform_indices = @transform_0, window_bounds = array<i64: 1000, 128>}, {transform_indices = @transform_1, window_bounds = array<i64: 1000, 128>}, {transform_indices = @transform_2, window_bounds = array<i64: 1000, 1>}, {pipeline_mode = #tpu.pipeline_mode<synchronous>, transform_indices = @transform_3, window_bounds = array<i64: 1, 40>}, {transform_indices = @transform_4, window_bounds = array<i64: 1000, 40>}]} {
    %get3A = arith.constant 0 : index
    %get3A_0 = arith.constant 0 : index
    %get3A_1 = vector.load %arg1[%get3A, %get3A_0] : memref<1000x128xf32, #tpu.memory_space<vmem>>, vector<1000x128xf32>
    %get3A_2 = arith.constant 0 : index
    %get3A_3 = arith.constant 0 : index
    %get3A_4 = vector.load %arg2[%get3A_2, %get3A_3] : memref<1000x128xf32, #tpu.memory_space<vmem>>, vector<1000x128xf32>
    %add3A = arith.addf %get3A_1, %get3A_4 : vector<1000x128xf32>
    %get3A_5 = arith.constant 0 : index
    %get3A_6 = arith.constant 0 : index
    %get3A_7 = vector.load %arg3[%get3A_5, %get3A_6] : memref<1000x1xf32, #tpu.memory_space<vmem>>, vector<1000x1xf32>
    %mul3A = vector.broadcast %get3A_7 : vector<1000x1xf32> to vector<1000x128xf32>
    %mul3A_8 = arith.mulf %add3A, %mul3A : vector<1000x128xf32>
    %slice3A = vector.extract_strided_slice %mul3A_8 {offsets = [0, 0], sizes = [1000, 40], strides = [1, 1]} : vector<1000x128xf32> to vector<1000x40xf32>
    %get3A_9 = arith.constant 0 : index
    %get3A_10 = arith.constant 0 : index
    %get3A_11 = vector.load %arg4[%get3A_9, %get3A_10] : memref<1x40xf32, #tpu.memory_space<vmem>>, vector<1x40xf32>
    %add3A_12 = vector.broadcast %get3A_11 : vector<1x40xf32> to vector<1000x40xf32>
    %add3A_13 = arith.addf %slice3A, %add3A_12 : vector<1000x40xf32>
    %reduce_max3A = arith.constant dense<0xFF800000> : vector<1000xf32>
    %reduce_max3A_14 = vector.multi_reduction <maximumf>, %add3A_13, %reduce_max3A [1] : vector<1000x40xf32> to vector<1000xf32>
    %broadcast_in_dim3A = vector.shape_cast %reduce_max3A_14 : vector<1000xf32> to vector<1000x1xf32>
    %sub3A = vector.broadcast %broadcast_in_dim3A : vector<1000x1xf32> to vector<1000x40xf32>
    %sub3A_15 = arith.subf %add3A_13, %sub3A : vector<1000x40xf32>
    %exp3A = math.exp %sub3A_15 : vector<1000x40xf32>
    %reduce_sum3A = arith.constant dense<0.000000e+00> : vector<1000xf32>
    %reduce_sum3A_16 = vector.multi_reduction <add>, %exp3A, %reduce_sum3A [1] : vector<1000x40xf32> to vector<1000xf32>
    %broadcast_in_dim3A_17 = vector.shape_cast %reduce_sum3A_16 : vector<1000xf32> to vector<1000x1xf32>
    %log3A = math.log %broadcast_in_dim3A_17 : vector<1000x1xf32>
    %sub3A_18 = vector.broadcast %broadcast_in_dim3A : vector<1000x1xf32> to vector<1000x40xf32>
    %sub3A_19 = arith.subf %add3A_13, %sub3A_18 : vector<1000x40xf32>
    %sub3A_20 = vector.broadcast %log3A : vector<1000x1xf32> to vector<1000x40xf32>
    %sub3A_21 = arith.subf %sub3A_19, %sub3A_20 : vector<1000x40xf32>
    %swap3A = arith.constant 0 : index
    %swap3A_22 = arith.constant 0 : index
    %swap3A_23 = vector.load %arg5[%swap3A, %swap3A_22] : memref<1000x40xf32, #tpu.memory_space<vmem>>, vector<1000x40xf32>
    tpu.vector_store %arg5[%swap3A, %swap3A_22], %sub3A_21 {strides = array<i32>} : memref<1000x40xf32, #tpu.memory_space<vmem>>, vector<1000x40xf32>,
    return
  }
  func.func @transform_0(%arg0: i32) -> (i32, i32) {
    %c0_i32 = arith.constant 0 : i32
    %c0_i32_0 = arith.constant 0 : i32
    return %arg0, %c0_i32 : i32, i32
  }
  func.func @transform_1(%arg0: i32) -> (i32, i32) {
    %c0_i32 = arith.constant 0 : i32
    %c0_i32_0 = arith.constant 0 : i32
    return %arg0, %c0_i32 : i32, i32
  }
  func.func @transform_2(%arg0: i32) -> (i32, i32) {
    %c0_i32 = arith.constant 0 : i32
    %c0_i32_0 = arith.constant 0 : i32
    return %arg0, %c0_i32 : i32, i32
  }
  func.func @transform_3(%arg0: i32) -> (i32, i32) {
    %c0_i32 = arith.constant 0 : i32
    %c0_i32_0 = arith.constant 0 : i32
    %c0_i32_1 = arith.constant 0 : i32
    return %c0_i32, %c0_i32_0 : i32, i32
  }
  func.func @transform_4(%arg0: i32) -> (i32, i32) {
    %c0_i32 = arith.constant 0 : i32
    %c0_i32_0 = arith.constant 0 : i32
    return %arg0, %c0_i32 : i32, i32
  }
}

</mosaic_0001>

<sc_bundles>
// kernel: body.5.cloned.1.call-start
scs
__scs_entry_jumppad:
0x0: {  	(pc) =	sbr.rel $0x88, $3  }
0x1: {  	(tag) =	ssettag $0x0;
	lr =	simm.s32 $0x1  }
0x2: {  	[smem:$0x3F95] =	sst lr;
	_ =	strace $0xD0000000  }
0x3: {  	_ = 	snop  }
0x4: {  	_ = 	snop  }
0x5: {  	_ = 	snop  }
0x6: {  	_ = 	snop  }
0x7: {  	_ = 	snop  }
__scs_overlays_trampoline_lowered:
0x8: {  	[smem:$0x3FA4] =	sst s0  }
0x9: {  	[smem:$0x3FA5] =	sst s1  }
0xa: {  	[smem:$0x3FA6] =	sst s2  }
0xb: {  	[smem:$0x3FA7] =	sst s3  }
0xc: {  	[smem:$0x3FA8] =	sst s4  }
0xd: {  	[smem:$0x3FA9] =	sst s5  }
0xe: {  	[smem:$0x3FAA] =	sst s6  }
0xf: {  	[smem:$0x3FAB] =	sst s7  }
0x10: {  	[smem:$0x3FAC] =	sst s8  }
0x11: {  	[smem:$0x3FAD] =	sst s9;
	s0 =	simm.s32 @!p0 $0x0  }
0x12: {  	s1 =	sld [smem:$0x3F93];
	s0 =	simm.s32 @p0 $0x1  }
0x13: {  	[smem:$0x3FAE] =	sst s0;
	s0 =	simm.s32 @!p1 $0x0  }
0x14: {  	s2 =	sld [smem:$0x3F92];
	s0 =	simm.s32 @p1 $0x1  }
0x15: {  	[smem:$0x3FAF] =	sst s0;
	s0 =	simm.s32 @!p2 $0x0  }
0x16: {  	s3 =	sld [smem:$0x3FDB];
	s0 =	simm.s32 @p2 $0x1  }
0x17: {  	s4 =	simm.s32 $0x1BF5;
	[smem:$0x3FB1] =	sst s0  }
0x18: {  	s0 =	sld [smem:$0x3F94];
	_ =	swait.ge [sflag:s4], $0x0  }
0x19: {  	s7 =	sld [smem:$0x3F95]  }
0x1a: {  	s8 =	sadd.s32 $0xFFFFE003, lr  }
0x1b: {  	s9 =	sadd.s32 $0xFFFFFEF7, lr;
	s5 =	simm.s32 $0xFFFFFFFF;
	p2 =	slt.u32 s8, $0xFFFFF086  }
0x1c: {  	p1 =	slt.u32 s9, $0xF7A;
	s5 =	simm.s32 @!p2 $0x0  }
0x1d: {  	s5 =	simm.s32 @p1 $0x1;
	p0 =	seq.s32 s7, s2  }
0x1e: {  	s7 =	smul.u32 @!p0 $0xF7A, s2;
	p2 =	seq.s32 @!p0 s5, $0x0  }
0x1f: {  	s9 =	smul.u32 $0xF7A, s1;
	s8 =	simm.s32 @!p0 $0x1BF5;
	p2 =	por !p2, p0  }
0x20: {  	[sflag:s8] =	ssyncset.s32 @!p0 $0xFFFFF086;
	s6 =	sadd.s32 @!p0 s3, s7;
	s7 =	simm.s32 @!p0 $0x108  }
0x21: {  	s3 =	sadd.s32 s3, s9;
	s6 =	sadd.s32 @!p0 $0x88, s6;
	s7 =	simm.s32 @p2 $0x1082  }
0x22: {  	[simem:s7], [sflag:s8] =	dma.local @!p0 [hbm:s6], $0xF7A  }
0x23: {  	s9 =	sor.u32 $0xD0000000, s2;
	s6 =	simm.s32 $0x108;
	_ =	swait.ge @!p0 [sflag:s8], $0x0  }
0x24: {  	s3 =	sadd.s32 $0x88, s3;
	s6 =	simm.s32 @!p1 $0x1082;
	[sflag:s4] =	ssyncset.s32 $0xFFFFF086  }
0x25: {  	[simem:s6], [sflag:s4] =	dma.local [hbm:s3], $0xF7A  }
0x26: {  	[smem:$0x3F95] =	sst s1;
	(tag) =	ssettag s2;
	_ =	strace s9  }
0x27: {  	s1 =	sld [smem:$0x3FA5]  }
0x28: {  	s2 =	sld [smem:$0x3FA6]  }
0x29: {  	s4 =	sld [smem:$0x3FA8]  }
0x2a: {  	p0 =	seq.s32 s5, $0x0;
	s5 =	sld [smem:$0x3FA9]  }
0x2b: {  	s6 =	sld [smem:$0x3FAA]  }
0x2c: {  	s7 =	sld [smem:$0x3FAB]  }
0x2d: {  	s3 =	simm.s32 $0x108;
	s8 =	sld [smem:$0x3FAC]  }
0x2e: {  	s3 =	simm.s32 @!p0 $0x1082;
	s9 =	sld [smem:$0x3FAD]  }
0x2f: {  	lr =	sadd.s32 s0, s3;
	s0 =	sld [smem:$0x3FA4]  }
0x30: {  	s3 =	sld [smem:$0x3FA7]  }
0x31: {  	[smem:$0x3FB0] =	sst s10  }
0x32: {  	s10 =	sld [smem:$0x3FAE];
	_ =	sdelay $0x3  }
0x33: {  	p0 =	seq.s32 s10, $0x1;
	s10 =	sld [smem:$0x3FB0];
	_ =	sdelay $0x3  }
0x34: {  	[smem:$0x3FB0] =	sst s10  }
0x35: {  	s10 =	sld [smem:$0x3FAF];
	_ =	sdelay $0x3  }
0x36: {  	p1 =	seq.s32 s10, $0x1;
	s10 =	sld [smem:$0x3FB0];
	_ =	sdelay $0x3  }
0x37: {  	[smem:$0x3FB0] =	sst s10  }
0x38: {  	s10 =	sld [smem:$0x3FB1]  }
0x39: {  	_ = 	snop;
	(pc) =	sbr.ind lr, $3  }
0x3a: {  	_ = 	snop  }
0x3b: {  	_ = 	snop  }
0x3c: {  	p2 =	seq.s32 s10, $0x1;
	s10 =	sld [smem:$0x3FB0]  }
0x3d: {  	_ =	shalt  }
0x3e: {  	_ =	shalt  }
0x3f: {  	_ =	shalt  }
0x40: {  	_ =	shalt  }
0x41: {  	_ =	shalt  }
0x42: {  	_ =	shalt  }
0x43: {  	_ =	shalt  }
0x44: {  	_ =	shalt  }
0x45: {  	_ =	shalt  }
0x46: {  	_ =	shalt  }
0x47: {  	_ =	shalt  }
0x48: {  	_ =	shalt  }
0x49: {  	_ =	shalt  }
0x4a: {  	_ =	shalt  }
0x4b: {  	_ =	shalt  }
0x4c: {  	_ =	shalt  }
0x4d: {  	_ =	shalt  }
0x4e: {  	_ =	shalt  }
0x4f: {  	_ =	shalt  }
0x50: {  	_ =	shalt  }
0x51: {  	_ =	shalt  }
0x52: {  	_ =	shalt  }
0x53: {  	_ =	shalt  }
0x54: {  	_ =	shalt  }
0x55: {  	_ =	shalt  }
0x56: {  	_ =	shalt  }
0x57: {  	_ =	shalt  }
0x58: {  	_ =	shalt  }
0x59: {  	_ =	shalt  }
0x5a: {  	_ =	shalt  }
0x5b: {  	_ =	shalt  }
0x5c: {  	_ =	shalt  }
0x5d: {  	_ =	shalt  }
0x5e: {  	_ =	shalt  }
0x5f: {  	_ =	shalt  }
0x60: {  	_ =	shalt  }
0x61: {  	_ =	shalt  }
0x62: {  	_ =	shalt  }
0x63: {  	_ =	shalt  }
0x64: {  	_ =	shalt  }
0x65: {  	_ =	shalt  }
0x66: {  	_ =	shalt  }
0x67: {  	_ =	shalt  }
0x68: {  	_ =	shalt  }
0x69: {  	_ =	shalt  }
0x6a: {  	_ =	shalt  }
0x6b: {  	_ =	shalt  }
0x6c: {  	_ =	shalt  }
0x6d: {  	_ =	shalt  }
0x6e: {  	_ =	shalt  }
0x6f: {  	_ =	shalt  }
0x70: {  	_ =	shalt  }
0x71: {  	_ =	shalt  }
0x72: {  	_ =	shalt  }
0x73: {  	_ =	shalt  }
0x74: {  	_ =	shalt  }
0x75: {  	_ =	shalt  }
0x76: {  	_ =	shalt  }
0x77: {  	_ =	shalt  }
0x78: {  	_ =	shalt  }
0x79: {  	_ =	shalt  }
0x7a: {  	_ =	shalt  }
0x7b: {  	_ =	shalt  }
0x7c: {  	_ =	shalt  }
0x7d: {  	_ =	shalt  }
0x7e: {  	_ =	shalt  }
0x7f: {  	_ =	shalt  }
0x80: {  	_ =	shalt  }
0x81: {  	_ =	shalt  }
0x82: {  	_ =	shalt  }
0x83: {  	_ =	shalt  }
0x84: {  	_ =	shalt  }
0x85: {  	_ =	shalt  }
0x86: {  	_ =	shalt  }
0x87: {  	_ =	shalt  }
.Lfunc_end0:
.L_simem_size_0:
called_computation_lowered:
.L_overlay_start_0:
0x88: {  	s2 =	sld [smem:$0x3FD9]  }
0x89: {  	s3 =	sld [smem:$0x3FFE];
	_ =	sdelay $0x1  }
0x8a: {  	s1 =	srdreg.scid  }
0x8b: {  	s0 =	sand.u32 $0x1, s1  }
0x8c: {  	s17 =	sshll.u32 s0, $0xA;
	s2 =	sadd.s32 s3, s2  }
0x8d: {  	s2 =	sadd.s32 s2, s17  }
0x8e: {  	[smem:$0x3FBC] =	sst s2  }
0x8f: {  	_ = 	snop  }
0x90: {  	s2 =	sld [smem:$0x3FD0];
	(tm) =	ssettm $0x1  }
0x91: {  	s18 =	sld [smem:$0x3FFB];
	_ =	sdelay $0x3  }
0x92: {  	_ =	strace s18  }
0x93: {  	s3 =	sld [smem:$0x3FFC];
	_ =	sdelay $0x3  }
0x94: {  	_ =	strace s3  }
0x95: {  	s3 =	sld [smem:$0x3FFD];
	_ =	sdelay $0x3  }
0x96: {  	_ =	strace s3  }
0x97: {  	_ =	strace $0x8FFFFFFF  }
0x98: {  	s19 =	sld [smem:$0x3FDB];
	_ =	sdelay $0x1  }
0x99: {  	s4 =	simm.s32 $_scs_section_size  }
0x9a: {  	s5 =	simm.s32 $_size__tile_overlayer_lowered;
	s6 =	simm.s32 $_tile_overlayer_lowered  }
0x9b: {  	s22 =	simm.s32 $0x1BFF;
	s21 =	sshll.u32 s6, $0x1;
	s3 =	sadd.s32 s4, s19  }
0x9c: {  	s7 =	simm.s32 $0x0;
	s20 =	sshll.u32 s5, $0x1;
	s5 =	sadd.s32 s21, s3  }
0x9d: {  	[timem:s7], [sflag:s22] =	dma.local [hbm:s5], s20  }
0x9e: {  	_ =	swait.ge [sflag:s22], s20  }
0x9f: {  	s4 =	ssub.s32 $0x0, s20;
	[sflag:s22] =	ssyncset.done $0x0  }
0xa0: {  	[sflag:s22] =	ssyncadd.s32 s4;
	_ =	sdelay $0x1  }
0xa1: {  	s23 =	simm.s32 $0x1B8B  }
0xa2: {  	_ =	swait.ge [sflag:s23], $0x1  }
0xa3: {  	[sflag:s23] =	ssyncset.done $0x0  }
0xa4: {  	s25 =	simm.s32 $0x1B8E;
	s24 =	sld [smem:$0x3FFE];
	[sflag:s23] =	ssyncadd.s32 $0xFFFFFFFF  }
0xa5: {  	s26 =	simm.s32 $execute0_lowered;
	[smem:$0x3FD2] =	sst s25  }
0xa6: {  	s5 =	sshll.u32 s26, $0x1;
	_ =	strace $0x80000046;
	[dreg:$0x1] =	wrdreg $0xFFFFFFFF  }
0xa7: {  	s28 =	simm.s32 $_size_execute0_lowered;
	s3 =	sadd.s32 s3, s5;
	[dreg:$0x0] =	wrdreg $0x0  }
0xa8: {  	s5 =	sshll.u32 s28, $0x1;
	[dreg:$0x2] =	wrdreg s3  }
0xa9: {  	[dreg:$0x3] =	wrdreg s5  }
0xaa: {  	[dreg:$0x4] =	wrdreg $0xC0  }
0xab: {  	_ =	task [dreg:s7], $0x5FFFF  }
0xac: {  	[dreg:$0x1] =	wrdreg $0xFFFFFFFF  }
0xad: {  	[dreg:$0x0] =	wrdreg $0x60  }
0xae: {  	[dreg:$0x2] =	wrdreg s24  }
0xaf: {  	[dreg:$0x3] =	wrdreg s2  }
0xb0: {  	[dreg:$0x4] =	wrdreg $0x41000  }
0xb1: {  	[dreg:$0x5] =	wrdreg $0x9  }
0xb2: {  	_ =	task.clear_ibuf [dreg:s7], $0x6FFFF;
	_ =	strace $0x90000046  }
0xb3: {  	s29 =	simm.s32 $0x9;
	_ =	strace $0x80000048  }
0xb4: {  	_ =	swait.ge [sflag:s29], $0x1  }
0xb5: {  	[sflag:s29] =	ssyncadd.s32 $0xFFFFFFFF  }
0xb6: {  	_ =	strace $0x90000048  }
0xb7: {  	_ =	sfence  }
0xb8: {  	s30 =	sld [smem:$0x0];
	_ =	sdelay $0x2  }
0xb9: {  	s31 =	sshll.u32 s1, $0xD;
	s1 =	sshrl.u32 s1, $0x2  }
0xba: {  	s3 =	sand.u32 $0x4000, s31;
	s1 =	sadd.s32 s1, s30  }
0xbb: {  	s0 =	sor.u32 s3, s0;
	s1 =	sshll.u32 s1, $0x11  }
0xbc: {  	s0 =	sor.u32 s1, s0  }
0xbd: {  	s0 =	sadd.s32 $0x8F2B, s0  }
0xbe: {  	[sflag:s0] =	ssyncadd.remote.s32 $0x1  }
0xbf: {  	_ =	sfence.sel $0xFFFF  }
0xc0: {  	[dreg:$0x0] =	wrdreg $0xFFFFFFFF;
	(pc) =	sbr.abs _section_cstart, $3  }
0xc1: {  	[dreg:$0x1] =	wrdreg $0xFFFFFFFF  }
0xc2: {  	_ =	task.clear_ibuf [dreg:s7], $0x2FFFF;
	_ =	strace $0x9FFFFFFF  }
0xc3: {  	(tm) =	ssettm $0x7FFFFFFF  }
tec
execute0_lowered:
.L_overlay_start_1:
0x0: {  	(tag) =	ssettag $0x1  }
0x1: {  	s5 =	rddreg [dreg:$0x0]  }
0x2: {  	s8 =	rddreg [dreg:$0x1]  }
0x3: {  	s1 =	rddreg [dreg:$0x2]  }
0x4: {  	s0 =	rddreg [dreg:$0x3];
	s2 =	simm.s32 $0x0  }
0x5: {  	s3 =	srdreg.scid;
	s9 =	stileid.u32;
	s13 =	simm.s32 $0x1  }
0x6: {  	s14 =	simm.s32 $0x0;
	s4 =	sand.u32 $0x1, s3;
	s12 =	smul.u32 $0xA00, s9  }
0x7: {  	[smem:$0x7FF] =	sst s2;
	s3 =	sadd.s32 $0x79E00, s5;
	s6 =	smul.u32 $0xA000, s4  }
0x8: {  	p0 =	sne.s32 s9, $0x0;
	_ =	strace $0x80000047;
	s7 =	smul.u32 $0x14800, s4  }
0x9: {  	s10 =	ssub.s32 $0x2, s4;
	s4 =	sadd.s32 $0xB5E00, s5;
	s9 =	sshrl.u32 @!p0 s1, $0x3  }
0xa: {  	s30 =	sshrl.u32 s10, $0x1;
	s8 =	sadd.s32 s12, s8;
	s11 =	sadd.s32 s6, s5  }
0xb: {  	s5 =	sadd.s32 s7, s5;
	s6 =	ssub.s32 s10, s30;
	s10 =	simm.s32 $0x2  }
0xc: {  	s5 =	sadd.s32 $0xCA600, s5;
	s6 =	smax.u32 s6, $0x1;
	s31 =	sadd.s32 s12, s11  }
0xd: {  	s11 =	simm.s32 $0x80;
	s12 =	simm.s32 $0x100;
	s7 =	sadd.s32 $0xA1E00, s31  }
.LBB2_1:
0xe: {  	s15 =	simm.s32 @!p0 $0x1C02  }
0xf: {  	[spmem:s9], [sflag:s15] =	dma.local @!p0 [hbm:s4], $0x14800  }
0x10: {  	s15 =	simm.s32 @!p0 $0x2  }
0x11: {  	_ =	swait.ge @!p0 [sflag:s15], $0x14800  }
0x12: {  	[sflag:s15] =	ssyncset.done @!p0 $0x0  }
0x13: {  	[sflag:s15] =	ssyncadd.s32 @!p0 $0xFFFEB800  }
0x14: {  	s30 =	sadd.s32 $0x0, s8;
	[bflag:$0x0] =	sbarrier.arrive $0xFFFF  }
0x15: {  	[tilespmem:s2], [sflag:$0x2] =	stream.linear.gather [hbm4b:s30+s2], $0x80, $0x38;
	[tilespmem:$0xE500] =	vst v63  }
0x16: {  	_ =	swait.ge [sflag:s10], $0x80  }
0x17: {  	[sflag:s10] =	ssyncset.done $0x0  }
0x18: {  	s31 =	sadd.s32 $0x0, s7;
	[sflag:s10] =	ssyncadd.s32 $0xFFFFFF80  }
0x19: {  	[tilespmem:s11], [sflag:$0x2] =	stream.linear.gather [hbm4b:s31+s2], $0x80, $0x38;
	[tilespmem:$0xE500] =	vst v63  }
0x1a: {  	_ =	swait.ge [sflag:s10], $0x80  }
0x1b: {  	[sflag:s10] =	ssyncset.done $0x0  }
0x1c: {  	[sflag:s10] =	ssyncadd.s32 $0xFFFFFF80  }
0x1d: {  	[tilespmem:s12], [sflag:$0x1] =	stream.indirect.gather [hbm4b:s3+s11], $0x80, s2, s11, $0xb8;
	[tilespmem:$0xE500] =	vst v63  }
0x1e: {  	_ =	swait.ge [sflag:s13], $0x4000  }
0x1f: {  	[sflag:s13] =	ssyncset.done $0x0  }
0x20: {  	[sflag:s13] =	ssyncadd.s32 $0xFFFFC000  }
0x21: {  	[spmem:s1] =	stream.indirect.scatter.add.f32 [tilespmem:s12], [sflag:$0x2], $0x80, s11, s11, $0xb8;
	[tilespmem:$0xE500] =	vst v63  }
0x22: {  	_ =	swait.ge [sflag:s10], $0x4000  }
0x23: {  	s16 =	simm.s32 $0x20;
	s15 =	simm.s32 $0x10;
	[sflag:s10] =	ssyncset.done $0x0  }
.LBB2_2:
0x24: {  	s17 =	sadd.s32 s15, s8  }
0x25: {  	[sflag:s10] =	ssyncadd.s32 $0xFFFFC000;
	s18 =	smov.u32 s16;
	s19 =	sadd.s32 $0x10, s16  }
0x26: {  	[tilespmem:s2], [sflag:$0x2] =	stream.linear.gather [hbm4b:s17+s2], $0x80, $0x38;
	[tilespmem:$0xE500] =	vst v63  }
0x27: {  	p1 =	sne.s32 s16, $0x9F0;
	_ =	swait.ge [sflag:s10], $0x80  }
0x28: {  	[sflag:s10] =	ssyncset.done $0x0  }
0x29: {  	s16 =	sadd.s32 s15, s7;
	s15 =	smov.u32 s18;
	[sflag:s10] =	ssyncadd.s32 $0xFFFFFF80  }
0x2a: {  	[tilespmem:s11], [sflag:$0x2] =	stream.linear.gather [hbm4b:s16+s2], $0x80, $0x38;
	[tilespmem:$0xE500] =	vst v63  }
0x2b: {  	_ =	swait.ge [sflag:s10], $0x80  }
0x2c: {  	[sflag:s10] =	ssyncset.done $0x0  }
0x2d: {  	[sflag:s10] =	ssyncadd.s32 $0xFFFFFF80  }
0x2e: {  	[tilespmem:s12], [sflag:$0x1] =	stream.indirect.gather [hbm4b:s3+s11], $0x80, s2, s11, $0xb8;
	[tilespmem:$0xE500] =	vst v63  }
0x2f: {  	_ =	swait.ge [sflag:s13], $0x4000  }
.Ltmp0:
0x30: {  	[sflag:s13] =	ssyncset.done $0x0;
	(pc) =	sbr.rel @p1 .LBB2_2-.Ltmp0, $4  }
0x31: {  	[sflag:s13] =	ssyncadd.s32 $0xFFFFC000  }
0x32: {  	[spmem:s1] =	stream.indirect.scatter.add.f32 [tilespmem:s12], [sflag:$0x2], $0x80, s11, s11, $0xb8;
	[tilespmem:$0xE500] =	vst v63  }
0x33: {  	_ =	swait.ge [sflag:s10], $0x4000  }
0x34: {  	s16 =	smov.u32 s19;
	[sflag:s10] =	ssyncset.done $0x0  }
0x35: {  	s16 =	sadd.s32 s15, s8;
	[sflag:s10] =	ssyncadd.s32 $0xFFFFC000  }
0x36: {  	[tilespmem:s2], [sflag:$0x2] =	stream.linear.gather [hbm4b:s16+s2], $0x80, $0x38;
	[tilespmem:$0xE500] =	vst v63  }
0x37: {  	_ =	swait.ge [sflag:s10], $0x80  }
0x38: {  	[sflag:s10] =	ssyncset.done $0x0  }
0x39: {  	s31 =	sadd.s32 s15, s7;
	[sflag:s10] =	ssyncadd.s32 $0xFFFFFF80  }
0x3a: {  	[tilespmem:s11], [sflag:$0x2] =	stream.linear.gather [hbm4b:s31+s2], $0x80, $0x38;
	[tilespmem:$0xE500] =	vst v63  }
0x3b: {  	_ =	swait.ge [sflag:s10], $0x80  }
0x3c: {  	[sflag:s10] =	ssyncset.done $0x0  }
0x3d: {  	[sflag:s10] =	ssyncadd.s32 $0xFFFFFF80  }
0x3e: {  	[tilespmem:s12], [sflag:$0x1] =	stream.indirect.gather [hbm4b:s3+s11], $0x80, s2, s11, $0xb8;
	[tilespmem:$0xE500] =	vst v63  }
0x3f: {  	_ =	swait.ge [sflag:s13], $0x4000  }
0x40: {  	[sflag:s13] =	ssyncset.done $0x0  }
0x41: {  	[sflag:s13] =	ssyncadd.s32 $0xFFFFC000  }
0x42: {  	[spmem:s1] =	stream.indirect.scatter.add.f32 [tilespmem:s12], [sflag:$0x2], $0x80, s11, s11, $0xb8;
	[tilespmem:$0xE500] =	vst v63  }
0x43: {  	_ =	swait.ge [sflag:s10], $0x4000  }
0x44: {  	[sflag:s10] =	ssyncset.done $0x0  }
0x45: {  	s14 =	sadd.s32 $0x1, s14;
	[sflag:s10] =	ssyncadd.s32 $0xFFFFC000  }
0x46: {  	s15 =	simm.s32 @!p0 $0x1C02;
	p1 =	sne.s32 s14, s6;
	[bflag:$0x0] =	sbarrier.arrive $0xFFFF  }
0x47: {  	[hbm:s5], [sflag:s15] =	dma.local @!p0 [spmem:s9], $0x14800  }
.Ltmp1:
0x48: {  	_ = 	snop;
	(pc) =	sbr.rel @p1 .LBB2_1-.Ltmp1, $4  }
0x49: {  	s15 =	simm.s32 @!p0 $0x2  }
0x4a: {  	_ =	swait.ge @!p0 [sflag:s15], $0x14800  }
0x4b: {  	[sflag:s15] =	ssyncset.done @!p0 $0x0  }
0x4c: {  	[sflag:s15] =	ssyncadd.s32 @!p0 $0xFFFEB800  }
0x4d: {  	_ =	sfence.sel $0x180000  }
0x4e: {  	[bflag:$0x0] =	sbarrier.arrive $0xFFFF  }
0x4f: {  	_ =	strace $0x90000047  }
0x50: {  	s0 =	sadd.s32 @!p0 $0x100000, s0;
	[bflag:$0x2] =	sbarrier.arrive $0xFFFF  }
0x51: {  	[sflag:s0] =	ssyncadd.tile.s32 @!p0 $0x1;
	_ =	shalt  }
.Lfunc_end2:
_tile_overlayer_lowered:
.L_overlay_start_2:
0x52: {  	(tag) =	ssettag $0x2  }
0x53: {  	s0 =	rddreg [dreg:$0x0];
	s2 =	stileid.u32  }
0x54: {  	s1 =	rddreg [dreg:$0x1];
	p0 =	sne.s32 s2, $0x0  }
0x55: {  	s3 =	rddreg [dreg:$0x2];
	[bflag:$0x3] =	sbarrier.arrive $0xFFFF;
	s2 =	simm.s32 @!p0 $0x1C02  }
0x56: {  	[timem:s3], [sflag:s2] =	dma.local @!p0 [hbm:s0], s1  }
0x57: {  	s0 =	simm.s32 @!p0 $0x2  }
0x58: {  	_ =	swait.ge @!p0 [sflag:s0], s1  }
0x59: {  	s1 =	ssub.s32 @!p0 $0x0, s1;
	[sflag:s0] =	ssyncset.done @!p0 $0x0  }
0x5a: {  	[sflag:s0] =	ssyncadd.s32 @!p0 s1  }
0x5b: {  	[bflag:$0x3] =	sbarrier.arrive $0xFFFF  }
0x5c: {  	_ =	shalt  }

</sc_bundles>
